<compile_context>
chip_gen: v7x
topology: tpu7x:2x2x1
jax: 0.10.2.dev20260603
libtpu: 0.0.44.dev20260713+nightly
codegen_flags: <defaults>
</compile_context>

<pallas_src>
import functools

import jax
import jax.numpy as jnp
from jax import lax
from jax.experimental import pallas as pl
from jax.experimental.pallas import tpu as pltpu
from jax.experimental.pallas import tpu_sc as plsc

_NUM_FIELDS = 26
_VOCAB = 100000
_EMBED_DIM = 32
_BATCH = 16384

_NC, _NS = 2, 16
_NW = _NC * _NS
_NROWS = _NUM_FIELDS * _EMBED_DIM
_RPW = _NROWS // _NW
_OCHUNK = _BATCH // 4
_NCHUNK = _BATCH // _OCHUNK


def _mesh():
    return plsc.VectorSubcoreMesh(
        core_axis_name="c", subcore_axis_name="s",
        num_cores=_NC, num_subcores=_NS)


@functools.partial(
    pl.kernel,
    out_type=jax.ShapeDtypeStruct((_NROWS, _BATCH), jnp.float32),
    mesh=_mesh(),
    scratch_types=[
        pltpu.VMEM((_VOCAB,), jnp.float32),
        pltpu.VMEM((_BATCH,), jnp.int32),
        pltpu.VMEM((_OCHUNK,), jnp.float32),
        pltpu.VMEM((_OCHUNK,), jnp.float32),
        pltpu.SemaphoreType.DMA,
        pltpu.SemaphoreType.DMA,
        pltpu.SemaphoreType.DMA,
    ],
    compiler_params=pltpu.CompilerParams(
        use_tc_tiling_on_sc=True, needs_layout_passes=False),
)
def _embed_gather(x_hbm, tab_hbm, out_hbm, row_v, idx_v, out_a, out_b, wsem,
                  rsem, isem):
    wid = lax.axis_index("c") * _NS + lax.axis_index("s")
    r0 = wid * _RPW
    outs = [out_a, out_b]

    def do_row(k, prev_field):
        r = r0 + k
        field = lax.shift_right_logical(r, 5)

        @pl.when(jnp.logical_or(k == 0, field != prev_field))
        def _():
            pltpu.async_copy(x_hbm.at[field], idx_v, isem).wait()

        pltpu.async_copy(tab_hbm.at[r], row_v, rsem).wait()

        for c in range(_NCHUNK):
            buf = outs[c % 2]
            dst = out_hbm.at[r, pl.ds(c * _OCHUNK, _OCHUNK)]

            pbuf = outs[(c - 1) % 2]
            if c == 0:
                @pl.when(k > 0)
                def _():
                    pdst = out_hbm.at[r - 1,
                                      pl.ds((_NCHUNK - 1) * _OCHUNK, _OCHUNK)]
                    pltpu.async_copy(pbuf, pdst, wsem)
            else:
                pdst = out_hbm.at[r, pl.ds((c - 1) * _OCHUNK, _OCHUNK)]
                pltpu.async_copy(pbuf, pdst, wsem)

            drain = lambda: pltpu.make_async_copy(buf, dst, wsem).wait()
            if c < 2:
                pl.when(k > 0)(drain)
            else:
                drain()

            @plsc.parallel_loop(0, _OCHUNK // 16, unroll=16)
            def gather16(g):
                off = g * 16
                vals = plsc.load_gather(
                    row_v, [idx_v[pl.ds(c * _OCHUNK + off, 16)]])
                buf[pl.ds(off, 16)] = vals
        return field

    lax.fori_loop(0, _RPW, do_row, jnp.int32(-1))

    last_r = r0 + _RPW - 1
    last_dst = out_hbm.at[last_r, pl.ds((_NCHUNK - 1) * _OCHUNK, _OCHUNK)]
    pltpu.async_copy(outs[(_NCHUNK - 1) % 2], last_dst, wsem)
    pltpu.make_async_copy(out_a, last_dst, wsem).wait()
    pltpu.make_async_copy(out_b, last_dst, wsem).wait()


def kernel(x, tables):
    x_t = x.astype(jnp.int32).T
    tab_t = tables.transpose(0, 2, 1).reshape(_NROWS, _VOCAB)
    out_t = _embed_gather(x_t, tab_t)
    return out_t.T.reshape(_BATCH, _NUM_FIELDS * _EMBED_DIM)

# --- scband reference (transcript-rebuilt; emitter-appended) ---
"""Pipeline reference for scband-categorical-embedding-44238163148821 (READ-ONLY COPY).

The authoritative reference and input builder live on the scoring server;
editing this copy changes nothing except your own understanding.
"""

import jax, jax.numpy as jnp
import numpy as np

NUM_FIELDS = 26
VOCAB = 100000
EMBED_DIM = 32
BATCH = 16384


def setup_inputs(seed: int = 0) -> dict:
    key = jax.random.key(seed)
    k_idx, k_tab = jax.random.split(key)
    x = jax.random.randint(k_idx, (BATCH, NUM_FIELDS), 0, VOCAB, dtype=jnp.int64 if jax.config.jax_enable_x64 else jnp.int32)
    # All 26 embedding tables share shape [VOCAB, EMBED_DIM]; stack them.
    tables = jax.random.normal(k_tab, (NUM_FIELDS, VOCAB, EMBED_DIM), dtype=jnp.float32) * 0.02
    return {"x": x, "tables": tables}


def reference(x, tables):
    # Faithful translation: per-field embedding lookup, concatenated on last dim.
    out = []
    for i in range(NUM_FIELDS):
        out.append(jnp.take(tables[i], x[:, i], axis=0))
    return jnp.concatenate(out, axis=-1)

if __name__ == "__main__":
    import jax
    _d = setup_inputs()
    print(jax.jit(kernel)(*tuple(_d.values())))

</pallas_src>

<mosaic_0001>
#map = affine_map<(d0, d1) -> (0, 0)>
module attributes {stable_mosaic.version = 14 : i64} {
  func.func @_embed_gather(%arg0: i32, %arg1: i32, %arg2: memref<26x16384xi32, #tpu.memory_space<hbm>>, %arg3: memref<832x100000xf32, #tpu.memory_space<hbm>>, %arg4: memref<832x16384xf32, #tpu.memory_space<hbm>>, %arg5: memref<100000xf32, #tpu.memory_space<vmem>>, %arg6: memref<16384xi32, #tpu.memory_space<vmem>>, %arg7: memref<4096xf32, #tpu.memory_space<vmem>>, %arg8: memref<4096xf32, #tpu.memory_space<vmem>>, %arg9: memref<!tpu.dma_semaphore, #tpu.memory_space<semaphore_mem>>, %arg10: memref<!tpu.dma_semaphore, #tpu.memory_space<semaphore_mem>>, %arg11: memref<!tpu.dma_semaphore, #tpu.memory_space<semaphore_mem>>) attributes {dimension_semantics = [#tpu.dimension_semantics<core_parallel>, #tpu.dimension_semantics<subcore_parallel>], iteration_bounds = array<i64: 2, 16>, scalar_prefetch = 0 : i64, scratch_operands = 7 : i64, tpu.core_type = #tpu.core_type<sc_vector_subcore>, window_params = [{transform_indices = #map}, {transform_indices = #map}, {transform_indices = #map}]} {
    %mul3A = arith.constant 16 : i32
    %mul3A_0 = arith.muli %arg0, %mul3A : i32
    %add3A = arith.addi %mul3A_0, %arg1 : i32
    %mul3A_1 = arith.constant 26 : i32
    %mul3A_2 = arith.muli %add3A, %mul3A_1 : i32
    %scan3A = arith.constant -1 : i32
    %scan3A_3 = arith.constant 0 : i32
    %scan3A_4 = arith.constant 26 : i32
    %scan3A_5 = arith.addi %scan3A_3, %scan3A_4 : i32
    %scan3A_6 = arith.constant 1 : i32
    %scan3A_7 = scf.for %scan3A_28 = %scan3A_3 to %scan3A_5 step %scan3A_6 iter_args(%scan3A_29 = %scan3A) -> (i32)  : i32 {
      %add3A_30 = arith.addi %mul3A_2, %scan3A_28 : i32
      %shift_right_logical3A = arith.constant 5 : i32
      %shift_right_logical3A_31 = arith.shrui %add3A_30, %shift_right_logical3A : i32
      %eq3A = arith.constant 0 : i32
      %eq3A_32 = arith.cmpi eq, %scan3A_28, %eq3A : i32
      %ne3A = arith.cmpi ne, %shift_right_logical3A_31, %scan3A_29 : i32
      %or3A = arith.ori %eq3A_32, %ne3A : i1
      %convert_element_type3A = arith.extui %or3A : i1 to i32
      %cond3A = arith.constant 0 : i32
      %cond3A_33 = arith.cmpi ne, %convert_element_type3A, %cond3A : i32
      scf.if %cond3A_33 {
        %dma_start3A_101 = arith.constant 0 : i32
        %dma_start3A_102 = tpu.memref_slice %arg2[%shift_right_logical3A_31, %dma_start3A_101] : memref<26x16384xi32, #tpu.memory_space<hbm>> -> memref<1x16384xi32, #tpu.memory_space<hbm>>
        %dma_start3A_103 = tpu.memref_squeeze %dma_start3A_102 : memref<1x16384xi32, #tpu.memory_space<hbm>> -> memref<16384xi32, #tpu.memory_space<hbm>>
        %dma_start3A_104 = arith.constant 0 : i32
        %dma_start3A_105 = tpu.memref_slice %arg2[%shift_right_logical3A_31, %dma_start3A_104] : memref<26x16384xi32, #tpu.memory_space<hbm>> -> memref<1x16384xi32, #tpu.memory_space<hbm>>
        %dma_start3A_106 = tpu.memref_squeeze %dma_start3A_105 : memref<1x16384xi32, #tpu.memory_space<hbm>> -> memref<16384xi32, #tpu.memory_space<hbm>>
        tpu.enqueue_dma source(%dma_start3A_106 : memref<16384xi32, #tpu.memory_space<hbm>>) target(%arg6 : memref<16384xi32, #tpu.memory_space<vmem>>) target_semaphore(%arg11 : memref<!tpu.dma_semaphore, #tpu.memory_space<semaphore_mem>>)
        %dma_wait3A_107 = arith.constant 0 : i32
        %dma_wait3A_108 = tpu.memref_slice %arg2[%shift_right_logical3A_31, %dma_wait3A_107] : memref<26x16384xi32, #tpu.memory_space<hbm>> -> memref<1x16384xi32, #tpu.memory_space<hbm>>
        %dma_wait3A_109 = tpu.memref_squeeze %dma_wait3A_108 : memref<1x16384xi32, #tpu.memory_space<hbm>> -> memref<16384xi32, #tpu.memory_space<hbm>>
        %dma_wait3A_110 = arith.constant 0 : i32
        %dma_wait3A_111 = tpu.memref_slice %arg2[%shift_right_logical3A_31, %dma_wait3A_110] : memref<26x16384xi32, #tpu.memory_space<hbm>> -> memref<1x16384xi32, #tpu.memory_space<hbm>>
        %dma_wait3A_112 = tpu.memref_squeeze %dma_wait3A_111 : memref<1x16384xi32, #tpu.memory_space<hbm>> -> memref<16384xi32, #tpu.memory_space<hbm>>
        tpu.wait_dma2 semaphore(%arg11 : memref<!tpu.dma_semaphore, #tpu.memory_space<semaphore_mem>>) src(%dma_wait3A_112 : memref<16384xi32, #tpu.memory_space<hbm>>) dst(%arg6 : memref<16384xi32, #tpu.memory_space<vmem>>)
      } else {
      }
      %dma_start3A_34 = arith.constant 0 : i32
      %dma_start3A_35 = tpu.memref_slice %arg3[%add3A_30, %dma_start3A_34] : memref<832x100000xf32, #tpu.memory_space<hbm>> -> memref<1x100000xf32, #tpu.memory_space<hbm>>
      %dma_start3A_36 = tpu.memref_squeeze %dma_start3A_35 : memref<1x100000xf32, #tpu.memory_space<hbm>> -> memref<100000xf32, #tpu.memory_space<hbm>>
      %dma_start3A_37 = arith.constant 0 : i32
      %dma_start3A_38 = tpu.memref_slice %arg3[%add3A_30, %dma_start3A_37] : memref<832x100000xf32, #tpu.memory_space<hbm>> -> memref<1x100000xf32, #tpu.memory_space<hbm>>
      %dma_start3A_39 = tpu.memref_squeeze %dma_start3A_38 : memref<1x100000xf32, #tpu.memory_space<hbm>> -> memref<100000xf32, #tpu.memory_space<hbm>>
      tpu.enqueue_dma source(%dma_start3A_39 : memref<100000xf32, #tpu.memory_space<hbm>>) target(%arg5 : memref<100000xf32, #tpu.memory_space<vmem>>) target_semaphore(%arg10 : memref<!tpu.dma_semaphore, #tpu.memory_space<semaphore_mem>>)
      %dma_wait3A_40 = arith.constant 0 : i32
      %dma_wait3A_41 = tpu.memref_slice %arg3[%add3A_30, %dma_wait3A_40] : memref<832x100000xf32, #tpu.memory_space<hbm>> -> memref<1x100000xf32, #tpu.memory_space<hbm>>
      %dma_wait3A_42 = tpu.memref_squeeze %dma_wait3A_41 : memref<1x100000xf32, #tpu.memory_space<hbm>> -> memref<100000xf32, #tpu.memory_space<hbm>>
      %dma_wait3A_43 = arith.constant 0 : i32
      %dma_wait3A_44 = tpu.memref_slice %arg3[%add3A_30, %dma_wait3A_43] : memref<832x100000xf32, #tpu.memory_space<hbm>> -> memref<1x100000xf32, #tpu.memory_space<hbm>>
      %dma_wait3A_45 = tpu.memref_squeeze %dma_wait3A_44 : memref<1x100000xf32, #tpu.memory_space<hbm>> -> memref<100000xf32, #tpu.memory_space<hbm>>
      tpu.wait_dma2 semaphore(%arg10 : memref<!tpu.dma_semaphore, #tpu.memory_space<semaphore_mem>>) src(%dma_wait3A_45 : memref<100000xf32, #tpu.memory_space<hbm>>) dst(%arg5 : memref<100000xf32, #tpu.memory_space<vmem>>)
      %gt3A = arith.constant 0 : i32
      %gt3A_46 = arith.cmpi sgt, %scan3A_28, %gt3A : i32
      %convert_element_type3A_47 = arith.extui %gt3A_46 : i1 to i32
      %cond3A_48 = arith.constant 0 : i32
      %cond3A_49 = arith.cmpi ne, %convert_element_type3A_47, %cond3A_48 : i32
      scf.if %cond3A_49 {
        %sub3A_101 = arith.constant 1 : i32
        %sub3A_102 = arith.subi %add3A_30, %sub3A_101 : i32
        %dma_start3A_103 = arith.constant 12288 : i32
        %dma_start3A_104 = tpu.memref_slice %arg4[%sub3A_102, %dma_start3A_103] : memref<832x16384xf32, #tpu.memory_space<hbm>> -> memref<1x4096xf32, #tpu.memory_space<hbm>>
        %dma_start3A_105 = tpu.memref_squeeze %dma_start3A_104 : memref<1x4096xf32, #tpu.memory_space<hbm>> -> memref<4096xf32, #tpu.memory_space<hbm>>
        %dma_start3A_106 = arith.constant 12288 : i32
        %dma_start3A_107 = tpu.memref_slice %arg4[%sub3A_102, %dma_start3A_106] : memref<832x16384xf32, #tpu.memory_space<hbm>> -> memref<1x4096xf32, #tpu.memory_space<hbm>>
        %dma_start3A_108 = tpu.memref_squeeze %dma_start3A_107 : memref<1x4096xf32, #tpu.memory_space<hbm>> -> memref<4096xf32, #tpu.memory_space<hbm>>
        tpu.enqueue_dma source(%arg8 : memref<4096xf32, #tpu.memory_space<vmem>>) target(%dma_start3A_108 : memref<4096xf32, #tpu.memory_space<hbm>>) target_semaphore(%arg9 : memref<!tpu.dma_semaphore, #tpu.memory_space<semaphore_mem>>)
      } else {
      }
      %gt3A_50 = arith.constant 0 : i32
      %gt3A_51 = arith.cmpi sgt, %scan3A_28, %gt3A_50 : i32
      %convert_element_type3A_52 = arith.extui %gt3A_51 : i1 to i32
      %cond3A_53 = arith.constant 0 : i32
      %cond3A_54 = arith.cmpi ne, %convert_element_type3A_52, %cond3A_53 : i32
      scf.if %cond3A_54 {
        %dma_wait3A_101 = arith.constant 0 : i32
        %dma_wait3A_102 = tpu.memref_slice %arg4[%add3A_30, %dma_wait3A_101] : memref<832x16384xf32, #tpu.memory_space<hbm>> -> memref<1x4096xf32, #tpu.memory_space<hbm>>
        %dma_wait3A_103 = tpu.memref_squeeze %dma_wait3A_102 : memref<1x4096xf32, #tpu.memory_space<hbm>> -> memref<4096xf32, #tpu.memory_space<hbm>>
        %dma_wait3A_104 = arith.constant 0 : i32
        %dma_wait3A_105 = tpu.memref_slice %arg4[%add3A_30, %dma_wait3A_104] : memref<832x16384xf32, #tpu.memory_space<hbm>> -> memref<1x4096xf32, #tpu.memory_space<hbm>>
        %dma_wait3A_106 = tpu.memref_squeeze %dma_wait3A_105 : memref<1x4096xf32, #tpu.memory_space<hbm>> -> memref<4096xf32, #tpu.memory_space<hbm>>
        tpu.wait_dma2 semaphore(%arg9 : memref<!tpu.dma_semaphore, #tpu.memory_space<semaphore_mem>>) src(%arg7 : memref<4096xf32, #tpu.memory_space<vmem>>) dst(%dma_wait3A_106 : memref<4096xf32, #tpu.memory_space<hbm>>)
      } else {
      }
      %parallel_loop3A = arith.constant 0 : i32
      %parallel_loop3A_55 = arith.constant 256 : i32
      %parallel_loop3A_56 = arith.constant 1 : i32
      scf.for %parallel_loop3A_101 = %parallel_loop3A to %parallel_loop3A_55 step %parallel_loop3A_56  : i32 {
        %parallel_loop3A_102 = arith.constant 16 : i32
        %parallel_loop3A_103 = arith.muli %parallel_loop3A_101, %parallel_loop3A_102 : i32
        %parallel_loop3A_104 = arith.constant 0 : i32
        %parallel_loop3A_105 = arith.addi %parallel_loop3A_104, %parallel_loop3A_103 : i32
        %parallel_loop3A_106 = arith.index_cast %parallel_loop3A_105 : i32 to index
        %parallel_loop3A_107 = tpu.vector_load %arg6[%parallel_loop3A_106] {strides = array<i32>} : memref<16384xi32, #tpu.memory_space<vmem>>, vector<16xi32>,
        %parallel_loop3A_108 = tpu.vector_load_idx %arg5[%parallel_loop3A_107] : memref<100000xf32, #tpu.memory_space<vmem>>[vector<16xi32>], vector<16xf32>,
        %parallel_loop3A_109 = arith.index_cast %parallel_loop3A_103 : i32 to index
        %parallel_loop3A_110 = tpu.vector_load %arg7[%parallel_loop3A_109] {strides = array<i32>} : memref<4096xf32, #tpu.memory_space<vmem>>, vector<16xf32>,
        tpu.vector_store %arg7[%parallel_loop3A_109], %parallel_loop3A_108 {strides = array<i32>} : memref<4096xf32, #tpu.memory_space<vmem>>, vector<16xf32>,
      } {sc.loop_unroll_factor = 16 : i64, sc.parallel_access}
      %dma_start3A_57 = arith.constant 0 : i32
      %dma_start3A_58 = tpu.memref_slice %arg4[%add3A_30, %dma_start3A_57] : memref<832x16384xf32, #tpu.memory_space<hbm>> -> memref<1x4096xf32, #tpu.memory_space<hbm>>
      %dma_start3A_59 = tpu.memref_squeeze %dma_start3A_58 : memref<1x4096xf32, #tpu.memory_space<hbm>> -> memref<4096xf32, #tpu.memory_space<hbm>>
      %dma_start3A_60 = arith.constant 0 : i32
      %dma_start3A_61 = tpu.memref_slice %arg4[%add3A_30, %dma_start3A_60] : memref<832x16384xf32, #tpu.memory_space<hbm>> -> memref<1x4096xf32, #tpu.memory_space<hbm>>
      %dma_start3A_62 = tpu.memref_squeeze %dma_start3A_61 : memref<1x4096xf32, #tpu.memory_space<hbm>> -> memref<4096xf32, #tpu.memory_space<hbm>>
      tpu.enqueue_dma source(%arg7 : memref<4096xf32, #tpu.memory_space<vmem>>) target(%dma_start3A_62 : memref<4096xf32, #tpu.memory_space<hbm>>) target_semaphore(%arg9 : memref<!tpu.dma_semaphore, #tpu.memory_space<semaphore_mem>>)
      %gt3A_63 = arith.constant 0 : i32
      %gt3A_64 = arith.cmpi sgt, %scan3A_28, %gt3A_63 : i32
      %convert_element_type3A_65 = arith.extui %gt3A_64 : i1 to i32
      %cond3A_66 = arith.constant 0 : i32
      %cond3A_67 = arith.cmpi ne, %convert_element_type3A_65, %cond3A_66 : i32
      scf.if %cond3A_67 {
        %dma_wait3A_101 = arith.constant 4096 : i32
        %dma_wait3A_102 = tpu.memref_slice %arg4[%add3A_30, %dma_wait3A_101] : memref<832x16384xf32, #tpu.memory_space<hbm>> -> memref<1x4096xf32, #tpu.memory_space<hbm>>
        %dma_wait3A_103 = tpu.memref_squeeze %dma_wait3A_102 : memref<1x4096xf32, #tpu.memory_space<hbm>> -> memref<4096xf32, #tpu.memory_space<hbm>>
        %dma_wait3A_104 = arith.constant 4096 : i32
        %dma_wait3A_105 = tpu.memref_slice %arg4[%add3A_30, %dma_wait3A_104] : memref<832x16384xf32, #tpu.memory_space<hbm>> -> memref<1x4096xf32, #tpu.memory_space<hbm>>
        %dma_wait3A_106 = tpu.memref_squeeze %dma_wait3A_105 : memref<1x4096xf32, #tpu.memory_space<hbm>> -> memref<4096xf32, #tpu.memory_space<hbm>>
        tpu.wait_dma2 semaphore(%arg9 : memref<!tpu.dma_semaphore, #tpu.memory_space<semaphore_mem>>) src(%arg8 : memref<4096xf32, #tpu.memory_space<vmem>>) dst(%dma_wait3A_106 : memref<4096xf32, #tpu.memory_space<hbm>>)
      } else {
      }
      %parallel_loop3A_68 = arith.constant 0 : i32
      %parallel_loop3A_69 = arith.constant 256 : i32
      %parallel_loop3A_70 = arith.constant 1 : i32
      scf.for %parallel_loop3A_101 = %parallel_loop3A_68 to %parallel_loop3A_69 step %parallel_loop3A_70  : i32 {
        %parallel_loop3A_102 = arith.constant 16 : i32
        %parallel_loop3A_103 = arith.muli %parallel_loop3A_101, %parallel_loop3A_102 : i32
        %parallel_loop3A_104 = arith.constant 4096 : i32
        %parallel_loop3A_105 = arith.addi %parallel_loop3A_104, %parallel_loop3A_103 : i32
        %parallel_loop3A_106 = arith.index_cast %parallel_loop3A_105 : i32 to index
        %parallel_loop3A_107 = tpu.vector_load %arg6[%parallel_loop3A_106] {strides = array<i32>} : memref<16384xi32, #tpu.memory_space<vmem>>, vector<16xi32>,
        %parallel_loop3A_108 = tpu.vector_load_idx %arg5[%parallel_loop3A_107] : memref<100000xf32, #tpu.memory_space<vmem>>[vector<16xi32>], vector<16xf32>,
        %parallel_loop3A_109 = arith.index_cast %parallel_loop3A_103 : i32 to index
        %parallel_loop3A_110 = tpu.vector_load %arg8[%parallel_loop3A_109] {strides = array<i32>} : memref<4096xf32, #tpu.memory_space<vmem>>, vector<16xf32>,
        tpu.vector_store %arg8[%parallel_loop3A_109], %parallel_loop3A_108 {strides = array<i32>} : memref<4096xf32, #tpu.memory_space<vmem>>, vector<16xf32>,
      } {sc.loop_unroll_factor = 16 : i64, sc.parallel_access}
      %dma_start3A_71 = arith.constant 4096 : i32
      %dma_start3A_72 = tpu.memref_slice %arg4[%add3A_30, %dma_start3A_71] : memref<832x16384xf32, #tpu.memory_space<hbm>> -> memref<1x4096xf32, #tpu.memory_space<hbm>>
      %dma_start3A_73 = tpu.memref_squeeze %dma_start3A_72 : memref<1x4096xf32, #tpu.memory_space<hbm>> -> memref<4096xf32, #tpu.memory_space<hbm>>
      %dma_start3A_74 = arith.constant 4096 : i32
      %dma_start3A_75 = tpu.memref_slice %arg4[%add3A_30, %dma_start3A_74] : memref<832x16384xf32, #tpu.memory_space<hbm>> -> memref<1x4096xf32, #tpu.memory_space<hbm>>
      %dma_start3A_76 = tpu.memref_squeeze %dma_start3A_75 : memref<1x4096xf32, #tpu.memory_space<hbm>> -> memref<4096xf32, #tpu.memory_space<hbm>>
      tpu.enqueue_dma source(%arg8 : memref<4096xf32, #tpu.memory_space<vmem>>) target(%dma_start3A_76 : memref<4096xf32, #tpu.memory_space<hbm>>) target_semaphore(%arg9 : memref<!tpu.dma_semaphore, #tpu.memory_space<semaphore_mem>>)
      %dma_wait3A_77 = arith.constant 8192 : i32
      %dma_wait3A_78 = tpu.memref_slice %arg4[%add3A_30, %dma_wait3A_77] : memref<832x16384xf32, #tpu.memory_space<hbm>> -> memref<1x4096xf32, #tpu.memory_space<hbm>>
      %dma_wait3A_79 = tpu.memref_squeeze %dma_wait3A_78 : memref<1x4096xf32, #tpu.memory_space<hbm>> -> memref<4096xf32, #tpu.memory_space<hbm>>
      %dma_wait3A_80 = arith.constant 8192 : i32
      %dma_wait3A_81 = tpu.memref_slice %arg4[%add3A_30, %dma_wait3A_80] : memref<832x16384xf32, #tpu.memory_space<hbm>> -> memref<1x4096xf32, #tpu.memory_space<hbm>>
      %dma_wait3A_82 = tpu.memref_squeeze %dma_wait3A_81 : memref<1x4096xf32, #tpu.memory_space<hbm>> -> memref<4096xf32, #tpu.memory_space<hbm>>
      tpu.wait_dma2 semaphore(%arg9 : memref<!tpu.dma_semaphore, #tpu.memory_space<semaphore_mem>>) src(%arg7 : memref<4096xf32, #tpu.memory_space<vmem>>) dst(%dma_wait3A_82 : memref<4096xf32, #tpu.memory_space<hbm>>)
      %parallel_loop3A_83 = arith.constant 0 : i32
      %parallel_loop3A_84 = arith.constant 256 : i32
      %parallel_loop3A_85 = arith.constant 1 : i32
      scf.for %parallel_loop3A_101 = %parallel_loop3A_83 to %parallel_loop3A_84 step %parallel_loop3A_85  : i32 {
        %parallel_loop3A_102 = arith.constant 16 : i32
        %parallel_loop3A_103 = arith.muli %parallel_loop3A_101, %parallel_loop3A_102 : i32
        %parallel_loop3A_104 = arith.constant 8192 : i32
        %parallel_loop3A_105 = arith.addi %parallel_loop3A_104, %parallel_loop3A_103 : i32
        %parallel_loop3A_106 = arith.index_cast %parallel_loop3A_105 : i32 to index
        %parallel_loop3A_107 = tpu.vector_load %arg6[%parallel_loop3A_106] {strides = array<i32>} : memref<16384xi32, #tpu.memory_space<vmem>>, vector<16xi32>,
        %parallel_loop3A_108 = tpu.vector_load_idx %arg5[%parallel_loop3A_107] : memref<100000xf32, #tpu.memory_space<vmem>>[vector<16xi32>], vector<16xf32>,
        %parallel_loop3A_109 = arith.index_cast %parallel_loop3A_103 : i32 to index
        %parallel_loop3A_110 = tpu.vector_load %arg7[%parallel_loop3A_109] {strides = array<i32>} : memref<4096xf32, #tpu.memory_space<vmem>>, vector<16xf32>,
        tpu.vector_store %arg7[%parallel_loop3A_109], %parallel_loop3A_108 {strides = array<i32>} : memref<4096xf32, #tpu.memory_space<vmem>>, vector<16xf32>,
      } {sc.loop_unroll_factor = 16 : i64, sc.parallel_access}
      %dma_start3A_86 = arith.constant 8192 : i32
      %dma_start3A_87 = tpu.memref_slice %arg4[%add3A_30, %dma_start3A_86] : memref<832x16384xf32, #tpu.memory_space<hbm>> -> memref<1x4096xf32, #tpu.memory_space<hbm>>
      %dma_start3A_88 = tpu.memref_squeeze %dma_start3A_87 : memref<1x4096xf32, #tpu.memory_space<hbm>> -> memref<4096xf32, #tpu.memory_space<hbm>>
      %dma_start3A_89 = arith.constant 8192 : i32
      %dma_start3A_90 = tpu.memref_slice %arg4[%add3A_30, %dma_start3A_89] : memref<832x16384xf32, #tpu.memory_space<hbm>> -> memref<1x4096xf32, #tpu.memory_space<hbm>>
      %dma_start3A_91 = tpu.memref_squeeze %dma_start3A_90 : memref<1x4096xf32, #tpu.memory_space<hbm>> -> memref<4096xf32, #tpu.memory_space<hbm>>
      tpu.enqueue_dma source(%arg7 : memref<4096xf32, #tpu.memory_space<vmem>>) target(%dma_start3A_91 : memref<4096xf32, #tpu.memory_space<hbm>>) target_semaphore(%arg9 : memref<!tpu.dma_semaphore, #tpu.memory_space<semaphore_mem>>)
      %dma_wait3A_92 = arith.constant 12288 : i32
      %dma_wait3A_93 = tpu.memref_slice %arg4[%add3A_30, %dma_wait3A_92] : memref<832x16384xf32, #tpu.memory_space<hbm>> -> memref<1x4096xf32, #tpu.memory_space<hbm>>
      %dma_wait3A_94 = tpu.memref_squeeze %dma_wait3A_93 : memref<1x4096xf32, #tpu.memory_space<hbm>> -> memref<4096xf32, #tpu.memory_space<hbm>>
      %dma_wait3A_95 = arith.constant 12288 : i32
      %dma_wait3A_96 = tpu.memref_slice %arg4[%add3A_30, %dma_wait3A_95] : memref<832x16384xf32, #tpu.memory_space<hbm>> -> memref<1x4096xf32, #tpu.memory_space<hbm>>
      %dma_wait3A_97 = tpu.memref_squeeze %dma_wait3A_96 : memref<1x4096xf32, #tpu.memory_space<hbm>> -> memref<4096xf32, #tpu.memory_space<hbm>>
      tpu.wait_dma2 semaphore(%arg9 : memref<!tpu.dma_semaphore, #tpu.memory_space<semaphore_mem>>) src(%arg8 : memref<4096xf32, #tpu.memory_space<vmem>>) dst(%dma_wait3A_97 : memref<4096xf32, #tpu.memory_space<hbm>>)
      %parallel_loop3A_98 = arith.constant 0 : i32
      %parallel_loop3A_99 = arith.constant 256 : i32
      %parallel_loop3A_100 = arith.constant 1 : i32
      scf.for %parallel_loop3A_101 = %parallel_loop3A_98 to %parallel_loop3A_99 step %parallel_loop3A_100  : i32 {
        %parallel_loop3A_102 = arith.constant 16 : i32
        %parallel_loop3A_103 = arith.muli %parallel_loop3A_101, %parallel_loop3A_102 : i32
        %parallel_loop3A_104 = arith.constant 12288 : i32
        %parallel_loop3A_105 = arith.addi %parallel_loop3A_104, %parallel_loop3A_103 : i32
        %parallel_loop3A_106 = arith.index_cast %parallel_loop3A_105 : i32 to index
        %parallel_loop3A_107 = tpu.vector_load %arg6[%parallel_loop3A_106] {strides = array<i32>} : memref<16384xi32, #tpu.memory_space<vmem>>, vector<16xi32>,
        %parallel_loop3A_108 = tpu.vector_load_idx %arg5[%parallel_loop3A_107] : memref<100000xf32, #tpu.memory_space<vmem>>[vector<16xi32>], vector<16xf32>,
        %parallel_loop3A_109 = arith.index_cast %parallel_loop3A_103 : i32 to index
        %parallel_loop3A_110 = tpu.vector_load %arg8[%parallel_loop3A_109] {strides = array<i32>} : memref<4096xf32, #tpu.memory_space<vmem>>, vector<16xf32>,
        tpu.vector_store %arg8[%parallel_loop3A_109], %parallel_loop3A_108 {strides = array<i32>} : memref<4096xf32, #tpu.memory_space<vmem>>, vector<16xf32>,
      } {sc.loop_unroll_factor = 16 : i64, sc.parallel_access}
      scf.yield %shift_right_logical3A_31 : i32
    }
    %scan3A_8 = arith.constant 26 : i32
    %add3A_9 = arith.constant 26 : i32
    %add3A_10 = arith.addi %mul3A_2, %add3A_9 : i32
    %sub3A = arith.constant 1 : i32
    %sub3A_11 = arith.subi %add3A_10, %sub3A : i32
    %dma_start3A = arith.constant 12288 : i32
    %dma_start3A_12 = tpu.memref_slice %arg4[%sub3A_11, %dma_start3A] : memref<832x16384xf32, #tpu.memory_space<hbm>> -> memref<1x4096xf32, #tpu.memory_space<hbm>>
    %dma_start3A_13 = tpu.memref_squeeze %dma_start3A_12 : memref<1x4096xf32, #tpu.memory_space<hbm>> -> memref<4096xf32, #tpu.memory_space<hbm>>
    %dma_start3A_14 = arith.constant 12288 : i32
    %dma_start3A_15 = tpu.memref_slice %arg4[%sub3A_11, %dma_start3A_14] : memref<832x16384xf32, #tpu.memory_space<hbm>> -> memref<1x4096xf32, #tpu.memory_space<hbm>>
    %dma_start3A_16 = tpu.memref_squeeze %dma_start3A_15 : memref<1x4096xf32, #tpu.memory_space<hbm>> -> memref<4096xf32, #tpu.memory_space<hbm>>
    tpu.enqueue_dma source(%arg8 : memref<4096xf32, #tpu.memory_space<vmem>>) target(%dma_start3A_16 : memref<4096xf32, #tpu.memory_space<hbm>>) target_semaphore(%arg9 : memref<!tpu.dma_semaphore, #tpu.memory_space<semaphore_mem>>)
    %dma_wait3A = arith.constant 12288 : i32
    %dma_wait3A_17 = tpu.memref_slice %arg4[%sub3A_11, %dma_wait3A] : memref<832x16384xf32, #tpu.memory_space<hbm>> -> memref<1x4096xf32, #tpu.memory_space<hbm>>
    %dma_wait3A_18 = tpu.memref_squeeze %dma_wait3A_17 : memref<1x4096xf32, #tpu.memory_space<hbm>> -> memref<4096xf32, #tpu.memory_space<hbm>>
    %dma_wait3A_19 = arith.constant 12288 : i32
    %dma_wait3A_20 = tpu.memref_slice %arg4[%sub3A_11, %dma_wait3A_19] : memref<832x16384xf32, #tpu.memory_space<hbm>> -> memref<1x4096xf32, #tpu.memory_space<hbm>>
    %dma_wait3A_21 = tpu.memref_squeeze %dma_wait3A_20 : memref<1x4096xf32, #tpu.memory_space<hbm>> -> memref<4096xf32, #tpu.memory_space<hbm>>
    tpu.wait_dma2 semaphore(%arg9 : memref<!tpu.dma_semaphore, #tpu.memory_space<semaphore_mem>>) src(%arg7 : memref<4096xf32, #tpu.memory_space<vmem>>) dst(%dma_wait3A_21 : memref<4096xf32, #tpu.memory_space<hbm>>)
    %dma_wait3A_22 = arith.constant 12288 : i32
    %dma_wait3A_23 = tpu.memref_slice %arg4[%sub3A_11, %dma_wait3A_22] : memref<832x16384xf32, #tpu.memory_space<hbm>> -> memref<1x4096xf32, #tpu.memory_space<hbm>>
    %dma_wait3A_24 = tpu.memref_squeeze %dma_wait3A_23 : memref<1x4096xf32, #tpu.memory_space<hbm>> -> memref<4096xf32, #tpu.memory_space<hbm>>
    %dma_wait3A_25 = arith.constant 12288 : i32
    %dma_wait3A_26 = tpu.memref_slice %arg4[%sub3A_11, %dma_wait3A_25] : memref<832x16384xf32, #tpu.memory_space<hbm>> -> memref<1x4096xf32, #tpu.memory_space<hbm>>
    %dma_wait3A_27 = tpu.memref_squeeze %dma_wait3A_26 : memref<1x4096xf32, #tpu.memory_space<hbm>> -> memref<4096xf32, #tpu.memory_space<hbm>>
    tpu.wait_dma2 semaphore(%arg9 : memref<!tpu.dma_semaphore, #tpu.memory_space<semaphore_mem>>) src(%arg8 : memref<4096xf32, #tpu.memory_space<vmem>>) dst(%dma_wait3A_27 : memref<4096xf32, #tpu.memory_space<hbm>>)
    return
  }
}

</mosaic_0001>

<sc_bundles>
// kernel: kernel.3.cloned.1.call-start
scs
__scs_entry_jumppad:
0x0: {  	(pc) =	sbr.rel $0x88, $3  }
0x1: {  	(tag) =	ssettag $0x0;
	lr =	simm.s32 $0x1  }
0x2: {  	[smem:$0x3F9F] =	sst lr;
	_ =	strace $0xD0000000  }
0x3: {  	_ = 	snop  }
0x4: {  	_ = 	snop  }
0x5: {  	_ = 	snop  }
0x6: {  	_ = 	snop  }
0x7: {  	_ = 	snop  }
__scs_overlays_trampoline_lowered:
0x8: {  	[smem:$0x3FAE] =	sst s0  }
0x9: {  	[smem:$0x3FAF] =	sst s1  }
0xa: {  	[smem:$0x3FB0] =	sst s2  }
0xb: {  	[smem:$0x3FB1] =	sst s3  }
0xc: {  	[smem:$0x3FB2] =	sst s4  }
0xd: {  	[smem:$0x3FB3] =	sst s5  }
0xe: {  	[smem:$0x3FB4] =	sst s6  }
0xf: {  	[smem:$0x3FB5] =	sst s7  }
0x10: {  	[smem:$0x3FB6] =	sst s8  }
0x11: {  	[smem:$0x3FB7] =	sst s9;
	s0 =	simm.s32 @!p0 $0x0  }
0x12: {  	s1 =	sld [smem:$0x3F9D];
	s0 =	simm.s32 @p0 $0x1  }
0x13: {  	[smem:$0x3FB8] =	sst s0;
	s0 =	simm.s32 @!p1 $0x0  }
0x14: {  	s2 =	sld [smem:$0x3F9C];
	s0 =	simm.s32 @p1 $0x1  }
0x15: {  	[smem:$0x3FB9] =	sst s0;
	s0 =	simm.s32 @!p2 $0x0  }
0x16: {  	s3 =	sld [smem:$0x3FDB];
	s0 =	simm.s32 @p2 $0x1  }
0x17: {  	s4 =	simm.s32 $0x1BF5;
	[smem:$0x3FBB] =	sst s0  }
0x18: {  	s0 =	sld [smem:$0x3F9E];
	_ =	swait.ge [sflag:s4], $0x0  }
0x19: {  	s7 =	sld [smem:$0x3F9F]  }
0x1a: {  	s8 =	sadd.s32 $0xFFFFE003, lr  }
0x1b: {  	s9 =	sadd.s32 $0xFFFFFEF7, lr;
	s5 =	simm.s32 $0xFFFFFFFF;
	p2 =	slt.u32 s8, $0xFFFFF086  }
0x1c: {  	p1 =	slt.u32 s9, $0xF7A;
	s5 =	simm.s32 @!p2 $0x0  }
0x1d: {  	s5 =	simm.s32 @p1 $0x1;
	p0 =	seq.s32 s7, s2  }
0x1e: {  	s7 =	smul.u32 @!p0 $0xF7A, s2;
	p2 =	seq.s32 @!p0 s5, $0x0  }
0x1f: {  	s9 =	smul.u32 $0xF7A, s1;
	s8 =	simm.s32 @!p0 $0x1BF5;
	p2 =	por !p2, p0  }
0x20: {  	[sflag:s8] =	ssyncset.s32 @!p0 $0xFFFFF086;
	s6 =	sadd.s32 @!p0 s3, s7;
	s7 =	simm.s32 @!p0 $0x108  }
0x21: {  	s3 =	sadd.s32 s3, s9;
	s6 =	sadd.s32 @!p0 $0x88, s6;
	s7 =	simm.s32 @p2 $0x1082  }
0x22: {  	[simem:s7], [sflag:s8] =	dma.local @!p0 [hbm:s6], $0xF7A  }
0x23: {  	s9 =	sor.u32 $0xD0000000, s2;
	s6 =	simm.s32 $0x108;
	_ =	swait.ge @!p0 [sflag:s8], $0x0  }
0x24: {  	s3 =	sadd.s32 $0x88, s3;
	s6 =	simm.s32 @!p1 $0x1082;
	[sflag:s4] =	ssyncset.s32 $0xFFFFF086  }
0x25: {  	[simem:s6], [sflag:s4] =	dma.local [hbm:s3], $0xF7A  }
0x26: {  	[smem:$0x3F9F] =	sst s1;
	(tag) =	ssettag s2;
	_ =	strace s9  }
0x27: {  	s1 =	sld [smem:$0x3FAF]  }
0x28: {  	s2 =	sld [smem:$0x3FB0]  }
0x29: {  	s4 =	sld [smem:$0x3FB2]  }
0x2a: {  	p0 =	seq.s32 s5, $0x0;
	s5 =	sld [smem:$0x3FB3]  }
0x2b: {  	s6 =	sld [smem:$0x3FB4]  }
0x2c: {  	s7 =	sld [smem:$0x3FB5]  }
0x2d: {  	s3 =	simm.s32 $0x108;
	s8 =	sld [smem:$0x3FB6]  }
0x2e: {  	s3 =	simm.s32 @!p0 $0x1082;
	s9 =	sld [smem:$0x3FB7]  }
0x2f: {  	lr =	sadd.s32 s0, s3;
	s0 =	sld [smem:$0x3FAE]  }
0x30: {  	s3 =	sld [smem:$0x3FB1]  }
0x31: {  	[smem:$0x3FBA] =	sst s10  }
0x32: {  	s10 =	sld [smem:$0x3FB8];
	_ =	sdelay $0x3  }
0x33: {  	p0 =	seq.s32 s10, $0x1;
	s10 =	sld [smem:$0x3FBA];
	_ =	sdelay $0x3  }
0x34: {  	[smem:$0x3FBA] =	sst s10  }
0x35: {  	s10 =	sld [smem:$0x3FB9];
	_ =	sdelay $0x3  }
0x36: {  	p1 =	seq.s32 s10, $0x1;
	s10 =	sld [smem:$0x3FBA];
	_ =	sdelay $0x3  }
0x37: {  	[smem:$0x3FBA] =	sst s10  }
0x38: {  	s10 =	sld [smem:$0x3FBB]  }
0x39: {  	_ = 	snop;
	(pc) =	sbr.ind lr, $3  }
0x3a: {  	_ = 	snop  }
0x3b: {  	_ = 	snop  }
0x3c: {  	p2 =	seq.s32 s10, $0x1;
	s10 =	sld [smem:$0x3FBA]  }
0x3d: {  	_ =	shalt  }
0x3e: {  	_ =	shalt  }
0x3f: {  	_ =	shalt  }
0x40: {  	_ =	shalt  }
0x41: {  	_ =	shalt  }
0x42: {  	_ =	shalt  }
0x43: {  	_ =	shalt  }
0x44: {  	_ =	shalt  }
0x45: {  	_ =	shalt  }
0x46: {  	_ =	shalt  }
0x47: {  	_ =	shalt  }
0x48: {  	_ =	shalt  }
0x49: {  	_ =	shalt  }
0x4a: {  	_ =	shalt  }
0x4b: {  	_ =	shalt  }
0x4c: {  	_ =	shalt  }
0x4d: {  	_ =	shalt  }
0x4e: {  	_ =	shalt  }
0x4f: {  	_ =	shalt  }
0x50: {  	_ =	shalt  }
0x51: {  	_ =	shalt  }
0x52: {  	_ =	shalt  }
0x53: {  	_ =	shalt  }
0x54: {  	_ =	shalt  }
0x55: {  	_ =	shalt  }
0x56: {  	_ =	shalt  }
0x57: {  	_ =	shalt  }
0x58: {  	_ =	shalt  }
0x59: {  	_ =	shalt  }
0x5a: {  	_ =	shalt  }
0x5b: {  	_ =	shalt  }
0x5c: {  	_ =	shalt  }
0x5d: {  	_ =	shalt  }
0x5e: {  	_ =	shalt  }
0x5f: {  	_ =	shalt  }
0x60: {  	_ =	shalt  }
0x61: {  	_ =	shalt  }
0x62: {  	_ =	shalt  }
0x63: {  	_ =	shalt  }
0x64: {  	_ =	shalt  }
0x65: {  	_ =	shalt  }
0x66: {  	_ =	shalt  }
0x67: {  	_ =	shalt  }
0x68: {  	_ =	shalt  }
0x69: {  	_ =	shalt  }
0x6a: {  	_ =	shalt  }
0x6b: {  	_ =	shalt  }
0x6c: {  	_ =	shalt  }
0x6d: {  	_ =	shalt  }
0x6e: {  	_ =	shalt  }
0x6f: {  	_ =	shalt  }
0x70: {  	_ =	shalt  }
0x71: {  	_ =	shalt  }
0x72: {  	_ =	shalt  }
0x73: {  	_ =	shalt  }
0x74: {  	_ =	shalt  }
0x75: {  	_ =	shalt  }
0x76: {  	_ =	shalt  }
0x77: {  	_ =	shalt  }
0x78: {  	_ =	shalt  }
0x79: {  	_ =	shalt  }
0x7a: {  	_ =	shalt  }
0x7b: {  	_ =	shalt  }
0x7c: {  	_ =	shalt  }
0x7d: {  	_ =	shalt  }
0x7e: {  	_ =	shalt  }
0x7f: {  	_ =	shalt  }
0x80: {  	_ =	shalt  }
0x81: {  	_ =	shalt  }
0x82: {  	_ =	shalt  }
0x83: {  	_ =	shalt  }
0x84: {  	_ =	shalt  }
0x85: {  	_ =	shalt  }
0x86: {  	_ =	shalt  }
0x87: {  	_ =	shalt  }
.Lfunc_end0:
.L_simem_size_0:
called_computation_lowered:
.L_overlay_start_0:
0x88: {  	s2 =	sld [smem:$0x3FD9]  }
0x89: {  	s3 =	sld [smem:$0x3FFE];
	_ =	sdelay $0x1  }
0x8a: {  	s1 =	srdreg.scid  }
0x8b: {  	s0 =	sand.u32 $0x1, s1  }
0x8c: {  	s18 =	sshll.u32 s0, $0xA;
	s2 =	sadd.s32 s3, s2  }
0x8d: {  	s2 =	sadd.s32 s2, s18  }
0x8e: {  	[smem:$0x3FC6] =	sst s2  }
0x8f: {  	_ = 	snop  }
0x90: {  	s2 =	sld [smem:$0x3FC9]  }
0x91: {  	s19 =	sld [smem:$0x3FC8]  }
0x92: {  	s4 =	sld [smem:$0x3FD0];
	(tm) =	ssettm $0x1  }
0x93: {  	s5 =	sld [smem:$0x3FFB];
	_ =	sdelay $0x3  }
0x94: {  	_ =	strace s5  }
0x95: {  	s5 =	sld [smem:$0x3FFC];
	_ =	sdelay $0x3  }
0x96: {  	_ =	strace s5  }
0x97: {  	s5 =	sld [smem:$0x3FFD];
	_ =	sdelay $0x3  }
0x98: {  	_ =	strace s5  }
0x99: {  	_ =	strace $0x8FFFFFFF  }
0x9a: {  	s20 =	sld [smem:$0x3FDB];
	_ =	sdelay $0x1  }
0x9b: {  	s6 =	simm.s32 $_scs_section_size  }
0x9c: {  	s7 =	simm.s32 $_size__tile_overlayer_lowered;
	s8 =	simm.s32 $_tile_overlayer_lowered  }
0x9d: {  	s23 =	simm.s32 $0x1BFF;
	s22 =	sshll.u32 s8, $0x1;
	s5 =	sadd.s32 s6, s20  }
0x9e: {  	s9 =	simm.s32 $0x0;
	s21 =	sshll.u32 s7, $0x1;
	s7 =	sadd.s32 s22, s5  }
0x9f: {  	[timem:s9], [sflag:s23] =	dma.local [hbm:s7], s21  }
0xa0: {  	_ =	swait.ge [sflag:s23], s21  }
0xa1: {  	s6 =	ssub.s32 $0x0, s21;
	[sflag:s23] =	ssyncset.done $0x0  }
0xa2: {  	[sflag:s23] =	ssyncadd.s32 s6;
	_ =	sdelay $0x1  }
0xa3: {  	s24 =	simm.s32 $0x1B8B  }
0xa4: {  	_ =	swait.ge [sflag:s24], $0x1  }
0xa5: {  	[sflag:s24] =	ssyncset.done $0x0  }
0xa6: {  	s25 =	simm.s32 $0x1B8E;
	[sflag:s24] =	ssyncadd.s32 $0xFFFFFFFF  }
0xa7: {  	s26 =	simm.s32 $execute0_lowered;
	[smem:$0x3FD2] =	sst s25  }
0xa8: {  	s6 =	sshll.u32 s26, $0x1;
	_ =	strace $0x80000046;
	[dreg:$0x1] =	wrdreg $0xFFFFFFFF  }
0xa9: {  	s28 =	simm.s32 $_size_execute0_lowered;
	s5 =	sadd.s32 s5, s6;
	[dreg:$0x0] =	wrdreg $0x0  }
0xaa: {  	s6 =	sshll.u32 s28, $0x1;
	[dreg:$0x2] =	wrdreg s5  }
0xab: {  	[dreg:$0x3] =	wrdreg s6  }
0xac: {  	[dreg:$0x4] =	wrdreg $0xC0  }
0xad: {  	_ =	task [dreg:s9], $0x5FFFF  }
0xae: {  	[dreg:$0x1] =	wrdreg $0xFFFFFFFF  }
0xaf: {  	[dreg:$0x0] =	wrdreg $0x60  }
0xb0: {  	[dreg:$0x2] =	wrdreg s2  }
0xb1: {  	[dreg:$0x3] =	wrdreg s19  }
0xb2: {  	[dreg:$0x4] =	wrdreg s4  }
0xb3: {  	[dreg:$0x5] =	wrdreg $0x9  }
0xb4: {  	_ =	task.clear_ibuf [dreg:s9], $0x6FFFF;
	_ =	strace $0x90000046  }
0xb5: {  	s29 =	simm.s32 $0x9;
	_ =	strace $0x80000048  }
0xb6: {  	_ =	swait.ge [sflag:s29], $0x1  }
0xb7: {  	[sflag:s29] =	ssyncadd.s32 $0xFFFFFFFF  }
0xb8: {  	_ =	strace $0x90000048  }
0xb9: {  	_ =	sfence  }
0xba: {  	s30 =	sld [smem:$0x0];
	_ =	sdelay $0x2  }
0xbb: {  	s31 =	sshll.u32 s1, $0xD;
	s1 =	sshrl.u32 s1, $0x2  }
0xbc: {  	s3 =	sand.u32 $0x4000, s31;
	s1 =	sadd.s32 s1, s30  }
0xbd: {  	s0 =	sor.u32 s3, s0;
	s1 =	sshll.u32 s1, $0x11  }
0xbe: {  	s0 =	sor.u32 s1, s0  }
0xbf: {  	s0 =	sadd.s32 $0x8F2B, s0  }
0xc0: {  	[sflag:s0] =	ssyncadd.remote.s32 $0x1  }
0xc1: {  	_ =	sfence.sel $0xFFFF  }
0xc2: {  	[dreg:$0x0] =	wrdreg $0xFFFFFFFF;
	(pc) =	sbr.abs _section_cstart, $3  }
0xc3: {  	[dreg:$0x1] =	wrdreg $0xFFFFFFFF  }
0xc4: {  	_ =	task.clear_ibuf [dreg:s9], $0x2FFFF;
	_ =	strace $0x9FFFFFFF  }
0xc5: {  	(tm) =	ssettm $0x7FFFFFFF  }
tec
execute0_lowered:
.L_overlay_start_1:
0x0: {  	(tag) =	ssettag $0x1  }
0x1: {  	s1 =	rddreg [dreg:$0x0]  }
0x2: {  	s0 =	srdreg.scid;
	s3 =	rddreg [dreg:$0x1]  }
0x3: {  	s4 =	rddreg [dreg:$0x2];
	s5 =	simm.s32 $0x0;
	s12 =	simm.s32 $0x80  }
0x4: {  	s13 =	simm.s32 $0x400;
	s14 =	simm.s32 $0x18700;
	s7 =	sand.u32 $0x1, s0  }
0x5: {  	s15 =	simm.s32 $0x3;
	s0 =	stileid.u32;
	s2 =	sshll.u32 s7, $0x4  }
0x6: {  	s16 =	simm.s32 $0x2;
	s17 =	simm.s32 $0x1C700;
	s6 =	sor.u32 s0, s2  }
0x7: {  	s18 =	simm.s32 $0x1D700;
	s19 =	simm.s32 $0x1;
	s6 =	smul.u32 $0x1A, s6  }
0x8: {  	s20 =	simm.s32 $0x0;
	[smem:$0x7FF] =	sst s5;
	s7 =	ssub.s32 $0x2, s7  }
0x9: {  	s2 =	rddreg [dreg:$0x3];
	_ =	strace $0x80000047;
	s8 =	sadd.s32 $0x19, s6  }
0xa: {  	s9 =	sshrl.u32 s7, $0x1;
	s10 =	sshll.u32 s8, $0xB;
	s8 =	sshll.u32 s8, $0x4  }
0xb: {  	s11 =	ssub.s32 s7, s9;
	s30 =	sand.u32 $0x3FC000, s10;
	s31 =	sand.u32 $0x70, s8  }
0xc: {  	s7 =	sadd.s32 $0x3000, s4;
	s9 =	sadd.s32 $0x2000, s4;
	s10 =	sor.u32 s31, s30  }
0xd: {  	s11 =	smax.u32 s11, $0x1;
	s8 =	sadd.s32 $0x1000, s4;
	s10 =	sadd.s32 s10, s7  }
.LBB2_1:
0xe: {  	s22 =	simm.s32 $0xFFFFFFFF;
	s21 =	simm.s32 $0x0  }
.LBB2_2:
0xf: {  	s25 =	sadd.s32 s6, s21  }
0x10: {  	s23 =	smov.u32 s22;
	p0 =	seq.s32 s21, $0x0;
	s22 =	sshrl.u32 s25, $0x5  }
0x11: {  	p1 =	seq.s32 @!p0 s22, s23  }
0x12: {  	p1 =	por p0, !p1  }
0x13: {  	s23 =	sshll.u32 @p1 s25, $0x6  }
0x14: {  	s24 =	sshll.u32 @p1 s22, $0x4;
	s23 =	sand.u32 @p1 $0xFFFC000, s23  }
0x15: {  	s24 =	sand.u32 @p1 $0x70, s24;
	s23 =	sadd.s32 @p1 s1, s23  }
0x16: {  	s23 =	sadd.s32 @p1 s24, s23  }
0x17: {  	[tilespmem:s14], [sflag:$0x3] =	stream.strided.gather @p1 [hbm4b:s23+s12], $0x4000, s13, s12, $0x38;
	[tilespmem:$0x1E700] =	vst v63  }
0x18: {  	s23 =	sshrl.u32 s25, $0x3  }
0x19: {  	s30 =	sshll.u32 s25, $0x7;
	s26 =	smul.u32 $0xC3800, s23  }
0x1a: {  	s24 =	sand.u32 $0x380, s30  }
0x1b: {  	_ =	swait.ge @p1 [sflag:s15], $0x4000;
	s26 =	sor.u32 s24, s26  }
0x1c: {  	[sflag:s15] =	ssyncset.done @p1 $0x0;
	s26 =	sshrl.u32 s26, $0x3  }
0x1d: {  	s25 =	sadd.s32 @!p0 $0xFFFFFFFF, s25;
	[sflag:s15] =	ssyncadd.s32 @p1 $0xFFFFC000;
	s26 =	sadd.s32 s3, s26  }
0x1e: {  	[tilespmem:s5], [sflag:$0x2] =	stream.strided.gather [hbm4b:s26+s12], $0x18700, s13, s12, $0x38;
	[tilespmem:$0x1E700] =	vst v63  }
0x1f: {  	s26 =	sshll.u32 @!p0 s25, $0xE;
	s25 =	sshll.u32 @!p0 s25, $0x7  }
0x20: {  	s26 =	sand.u32 @!p0 $0xFFFE0000, s26;
	s25 =	sand.u32 @!p0 $0x380, s25  }
0x21: {  	s28 =	simm.s32 @!p0 $0x400;
	_ =	swait.ge [sflag:s16], $0x18700;
	s25 =	sor.u32 @!p0 s25, s26  }
0x22: {  	s29 =	simm.s32 @!p0 $0x1D700;
	[sflag:s16] =	ssyncset.done $0x0;
	s25 =	sshrl.u32 @!p0 s25, $0x3  }
0x23: {  	s26 =	simm.s32 @!p0 $0x80;
	[sflag:s16] =	ssyncadd.s32 $0xFFFE7900;
	s25 =	sadd.s32 @!p0 s25, s7  }
0x24: {  	[hbm4b:s25+s26] =	stream.strided.scatter @!p0 [tilespmem:s29], [sflag:$0x1], $0x1000, s28, s26, $0x38;
	[tilespmem:$0x1E700] =	vst v63  }
0x25: {  	s25 =	simm.s32 @!p0 $0x1  }
0x26: {  	_ =	swait.ge @!p0 [sflag:s25], $0x1000  }
0x27: {  	[sflag:s25] =	ssyncset.done @!p0 $0x0  }
0x28: {  	s31 =	simm.s32 $0x18780;
	[sflag:s25] =	ssyncadd.s32 @!p0 $0xFFFFF000  }
0x29: {  	v0 =	vld [tilespmem:s31+$0x70]  }
0x2a: {  	v1 =	vld [tilespmem:s31+$0xFFFFFF90]  }
0x2b: {  	v2 =	vld [tilespmem:s31+$0xFFFFFFA0]  }
0x2c: {  	v3 =	vld [tilespmem:s31+$0xFFFFFFB0]  }
0x2d: {  	v4 =	vld [tilespmem:s31+$0xFFFFFFC0]  }
0x2e: {  	v5 =	vld [tilespmem:s31+$0xFFFFFFD0]  }
0x2f: {  	v6 =	vld [tilespmem:s31+$0xFFFFFFE0]  }
0x30: {  	v7 =	vld [tilespmem:s31+$0xFFFFFFF0]  }
0x31: {  	v8 =	vld [tilespmem:s31+$0x0]  }
0x32: {  	v9 =	vld [tilespmem:s31+$0x10]  }
0x33: {  	v10 =	vld [tilespmem:s31+$0x20]  }
0x34: {  	v11 =	vld [tilespmem:s31+$0x30]  }
0x35: {  	v12 =	vld [tilespmem:s31+$0x40]  }
0x36: {  	v13 =	vld [tilespmem:s31+$0x50]  }
0x37: {  	v14 =	vld [tilespmem:s31+$0x60]  }
0x38: {  	v15 =	vld [tilespmem:s31+$0xFFFFFF80]  }
0x39: {  	v0 =	vld.idx.msk [tilespmem:v0+s5+$0x0], $0xffff  }
0x3a: {  	v1 =	vld.idx.msk [tilespmem:v1+s5+$0x0], $0xffff  }
0x3b: {  	v2 =	vld.idx.msk [tilespmem:v2+s5+$0x0], $0xffff  }
0x3c: {  	v3 =	vld.idx.msk [tilespmem:v3+s5+$0x0], $0xffff  }
0x3d: {  	v4 =	vld.idx.msk [tilespmem:v4+s5+$0x0], $0xffff  }
0x3e: {  	s25 =	simm.s32 $0x1C780;
	v5 =	vld.idx.msk [tilespmem:v5+s5+$0x0], $0xffff  }
0x3f: {  	v6 =	vld.idx.msk [tilespmem:v6+s5+$0x0], $0xffff;
	[tilespmem:s25+$0x70] =	vst v0  }
0x40: {  	v7 =	vld.idx.msk [tilespmem:v7+s5+$0x0], $0xffff;
	[tilespmem:s25+$0xFFFFFF90] =	vst v1  }
0x41: {  	v15 =	vld.idx.msk [tilespmem:v15+s5+$0x0], $0xffff;
	[tilespmem:s25+$0xFFFFFFA0] =	vst v2  }
0x42: {  	v8 =	vld.idx.msk [tilespmem:v8+s5+$0x0], $0xffff;
	[tilespmem:s25+$0xFFFFFFB0] =	vst v3  }
0x43: {  	[tilespmem:s25+$0xFFFFFFC0] =	vst v4;
	v0 =	vld.idx.msk [tilespmem:v9+s5+$0x0], $0xffff  }
0x44: {  	[tilespmem:s25+$0xFFFFFFD0] =	vst v5;
	v1 =	vld.idx.msk [tilespmem:v10+s5+$0x0], $0xffff  }
0x45: {  	[tilespmem:s25+$0xFFFFFFE0] =	vst v6;
	v2 =	vld.idx.msk [tilespmem:v11+s5+$0x0], $0xffff  }
0x46: {  	[tilespmem:s25+$0xFFFFFFF0] =	vst v7;
	v3 =	vld.idx.msk [tilespmem:v12+s5+$0x0], $0xffff  }
0x47: {  	[tilespmem:s25+$0xFFFFFF80] =	vst v15;
	v4 =	vld.idx.msk [tilespmem:v13+s5+$0x0], $0xffff  }
0x48: {  	s26 =	simm.s32 $0x0;
	s28 =	simm.s32 $0x18880;
	[tilespmem:s25+$0x0] =	vst v8;
	v5 =	vld.idx.msk [tilespmem:v14+s5+$0x0], $0xffff  }
.LBB2_3:
0x49: {  	v6 =	vld [tilespmem:s28+$0x70];
	s26 =	sadd.s32 $0x10, s26;
	[tilespmem:s25+$0x10] =	vst v0  }
0x4a: {  	v0 =	vld [tilespmem:s28+$0xFFFFFF90];
	p1 =	slt.u32 s26, $0xF0;
	[tilespmem:s25+$0x20] =	vst v1  }
0x4b: {  	v1 =	vld [tilespmem:s28+$0xFFFFFFA0];
	[tilespmem:s25+$0x30] =	vst v2  }
0x4c: {  	v2 =	vld [tilespmem:s28+$0xFFFFFFB0];
	[tilespmem:s25+$0x40] =	vst v3  }
0x4d: {  	v3 =	vld [tilespmem:s28+$0xFFFFFFC0];
	[tilespmem:s25+$0x50] =	vst v4  }
0x4e: {  	v4 =	vld [tilespmem:s28+$0xFFFFFFD0];
	[tilespmem:s25+$0x60] =	vst v5  }
0x4f: {  	v5 =	vld [tilespmem:s28+$0xFFFFFFE0]  }
0x50: {  	v7 =	vld [tilespmem:s28+$0xFFFFFFF0]  }
0x51: {  	v6 =	vld.idx.msk [tilespmem:v6+s5+$0x0], $0xffff  }
0x52: {  	v8 =	vld [tilespmem:s28+$0x0]  }
0x53: {  	v9 =	vld [tilespmem:s28+$0x10]  }
0x54: {  	v10 =	vld [tilespmem:s28+$0x20]  }
0x55: {  	v11 =	vld [tilespmem:s28+$0x30]  }
0x56: {  	s25 =	sadd.s32 $0x100, s25;
	v12 =	vld [tilespmem:s28+$0x40]  }
0x57: {  	v13 =	vld [tilespmem:s28+$0x50];
	[tilespmem:s25+$0x70] =	vst v6  }
0x58: {  	v6 =	vld [tilespmem:s28+$0x60]  }
0x59: {  	v14 =	vld [tilespmem:s28+$0xFFFFFF80]  }
0x5a: {  	v0 =	vld.idx.msk [tilespmem:v0+s5+$0x0], $0xffff  }
0x5b: {  	v1 =	vld.idx.msk [tilespmem:v1+s5+$0x0], $0xffff  }
0x5c: {  	v2 =	vld.idx.msk [tilespmem:v2+s5+$0x0], $0xffff  }
0x5d: {  	v3 =	vld.idx.msk [tilespmem:v3+s5+$0x0], $0xffff  }
0x5e: {  	v4 =	vld.idx.msk [tilespmem:v4+s5+$0x0], $0xffff  }
0x5f: {  	v5 =	vld.idx.msk [tilespmem:v5+s5+$0x0], $0xffff  }
0x60: {  	[tilespmem:s25+$0xFFFFFF90] =	vst v0;
	v7 =	vld.idx.msk [tilespmem:v7+s5+$0x0], $0xffff  }
0x61: {  	v14 =	vld.idx.msk [tilespmem:v14+s5+$0x0], $0xffff;
	[tilespmem:s25+$0xFFFFFFA0] =	vst v1  }
0x62: {  	[tilespmem:s25+$0xFFFFFFB0] =	vst v2;
	v8 =	vld.idx.msk [tilespmem:v8+s5+$0x0], $0xffff  }
0x63: {  	[tilespmem:s25+$0xFFFFFFC0] =	vst v3;
	v0 =	vld.idx.msk [tilespmem:v9+s5+$0x0], $0xffff  }
.Ltmp0:
0x64: {  	[tilespmem:s25+$0xFFFFFFD0] =	vst v4;
	v1 =	vld.idx.msk [tilespmem:v10+s5+$0x0], $0xffff;
	(pc) =	sbr.rel @p1 .LBB2_3-.Ltmp0, $4  }
0x65: {  	[tilespmem:s25+$0xFFFFFFE0] =	vst v5;
	v2 =	vld.idx.msk [tilespmem:v11+s5+$0x0], $0xffff  }
0x66: {  	[tilespmem:s25+$0xFFFFFFF0] =	vst v7;
	v3 =	vld.idx.msk [tilespmem:v12+s5+$0x0], $0xffff  }
0x67: {  	[tilespmem:s25+$0xFFFFFF80] =	vst v14;
	v4 =	vld.idx.msk [tilespmem:v13+s5+$0x0], $0xffff  }
0x68: {  	s28 =	sadd.s32 $0x100, s28;
	[tilespmem:s25+$0x0] =	vst v8;
	v5 =	vld.idx.msk [tilespmem:v6+s5+$0x0], $0xffff  }
0x69: {  	[tilespmem:s25+$0x10] =	vst v0  }
0x6a: {  	[tilespmem:s25+$0x20] =	vst v1  }
0x6b: {  	s23 =	sshll.u32 s23, $0x11;
	[tilespmem:s25+$0x30] =	vst v2  }
0x6c: {  	s23 =	sor.u32 s24, s23;
	[tilespmem:s25+$0x40] =	vst v3  }
0x6d: {  	s23 =	sshrl.u32 s23, $0x3;
	[tilespmem:s25+$0x50] =	vst v4  }
0x6e: {  	s24 =	simm.s32 @!p0 $0x1;
	s30 =	sadd.s32 s4, s23;
	[tilespmem:s25+$0x60] =	vst v5  }
0x6f: {  	[hbm4b:s30+s12] =	stream.strided.scatter [tilespmem:s17], [sflag:$0x1], $0x1000, s13, s12, $0x38;
	[tilespmem:$0x1E700] =	vst v63  }
0x70: {  	_ =	swait.ge @!p0 [sflag:s24], $0x1000  }
0x71: {  	[sflag:s24] =	ssyncset.done @!p0 $0x0  }
0x72: {  	s31 =	simm.s32 $0x197F0;
	[sflag:s24] =	ssyncadd.s32 @!p0 $0xFFFFF000  }
0x73: {  	v0 =	vld [tilespmem:s31+$0x0]  }
0x74: {  	v1 =	vld [tilespmem:s31+$0xFFFFFF20]  }
0x75: {  	v2 =	vld [tilespmem:s31+$0xFFFFFF30]  }
0x76: {  	v3 =	vld [tilespmem:s31+$0xFFFFFF40]  }
0x77: {  	v4 =	vld [tilespmem:s31+$0xFFFFFF50]  }
0x78: {  	v5 =	vld [tilespmem:s31+$0xFFFFFF60]  }
0x79: {  	v6 =	vld [tilespmem:s31+$0xFFFFFF70]  }
0x7a: {  	v7 =	vld [tilespmem:s31+$0xFFFFFF80]  }
0x7b: {  	v8 =	vld [tilespmem:s31+$0xFFFFFF90]  }
0x7c: {  	v9 =	vld [tilespmem:s31+$0xFFFFFFA0]  }
0x7d: {  	v10 =	vld [tilespmem:s31+$0xFFFFFFB0]  }
0x7e: {  	v11 =	vld [tilespmem:s31+$0xFFFFFFC0]  }
0x7f: {  	v12 =	vld [tilespmem:s31+$0xFFFFFFD0]  }
0x80: {  	v13 =	vld [tilespmem:s31+$0xFFFFFFE0]  }
0x81: {  	v14 =	vld [tilespmem:s31+$0xFFFFFFF0]  }
0x82: {  	v15 =	vld [tilespmem:s31+$0xFFFFFF10]  }
0x83: {  	v0 =	vld.idx.msk [tilespmem:v0+s5+$0x0], $0xffff  }
0x84: {  	v1 =	vld.idx.msk [tilespmem:v1+s5+$0x0], $0xffff  }
0x85: {  	v2 =	vld.idx.msk [tilespmem:v2+s5+$0x0], $0xffff  }
0x86: {  	v3 =	vld.idx.msk [tilespmem:v3+s5+$0x0], $0xffff  }
0x87: {  	v4 =	vld.idx.msk [tilespmem:v4+s5+$0x0], $0xffff  }
0x88: {  	s24 =	simm.s32 $0x1D780;
	v5 =	vld.idx.msk [tilespmem:v5+s5+$0x0], $0xffff  }
0x89: {  	v6 =	vld.idx.msk [tilespmem:v6+s5+$0x0], $0xffff;
	[tilespmem:s24+$0x70] =	vst v0  }
0x8a: {  	v7 =	vld.idx.msk [tilespmem:v7+s5+$0x0], $0xffff;
	[tilespmem:s24+$0xFFFFFF90] =	vst v1  }
0x8b: {  	v15 =	vld.idx.msk [tilespmem:v15+s5+$0x0], $0xffff;
	[tilespmem:s24+$0xFFFFFFA0] =	vst v2  }
0x8c: {  	v8 =	vld.idx.msk [tilespmem:v8+s5+$0x0], $0xffff;
	[tilespmem:s24+$0xFFFFFFB0] =	vst v3  }
0x8d: {  	[tilespmem:s24+$0xFFFFFFC0] =	vst v4;
	v0 =	vld.idx.msk [tilespmem:v9+s5+$0x0], $0xffff  }
0x8e: {  	[tilespmem:s24+$0xFFFFFFD0] =	vst v5;
	v1 =	vld.idx.msk [tilespmem:v10+s5+$0x0], $0xffff  }
0x8f: {  	[tilespmem:s24+$0xFFFFFFE0] =	vst v6;
	v2 =	vld.idx.msk [tilespmem:v11+s5+$0x0], $0xffff  }
0x90: {  	[tilespmem:s24+$0xFFFFFFF0] =	vst v7;
	v3 =	vld.idx.msk [tilespmem:v12+s5+$0x0], $0xffff  }
0x91: {  	[tilespmem:s24+$0xFFFFFF80] =	vst v15;
	v4 =	vld.idx.msk [tilespmem:v13+s5+$0x0], $0xffff  }
0x92: {  	s26 =	simm.s32 $0x198F0;
	s25 =	simm.s32 $0x0;
	[tilespmem:s24+$0x0] =	vst v8;
	v5 =	vld.idx.msk [tilespmem:v14+s5+$0x0], $0xffff  }
.LBB2_5:
0x93: {  	v6 =	vld [tilespmem:s26+$0x0];
	s25 =	sadd.s32 $0x10, s25;
	[tilespmem:s24+$0x10] =	vst v0  }
0x94: {  	v0 =	vld [tilespmem:s26+$0xFFFFFF20];
	p0 =	slt.u32 s25, $0xF0;
	[tilespmem:s24+$0x20] =	vst v1  }
0x95: {  	v1 =	vld [tilespmem:s26+$0xFFFFFF30];
	[tilespmem:s24+$0x30] =	vst v2  }
0x96: {  	v2 =	vld [tilespmem:s26+$0xFFFFFF40];
	[tilespmem:s24+$0x40] =	vst v3  }
0x97: {  	v3 =	vld [tilespmem:s26+$0xFFFFFF50];
	[tilespmem:s24+$0x50] =	vst v4  }
0x98: {  	v4 =	vld [tilespmem:s26+$0xFFFFFF60];
	[tilespmem:s24+$0x60] =	vst v5  }
0x99: {  	v5 =	vld [tilespmem:s26+$0xFFFFFF70]  }
0x9a: {  	v7 =	vld [tilespmem:s26+$0xFFFFFF80]  }
0x9b: {  	v6 =	vld.idx.msk [tilespmem:v6+s5+$0x0], $0xffff  }
0x9c: {  	v8 =	vld [tilespmem:s26+$0xFFFFFF90]  }
0x9d: {  	v9 =	vld [tilespmem:s26+$0xFFFFFFA0]  }
0x9e: {  	v10 =	vld [tilespmem:s26+$0xFFFFFFB0]  }
0x9f: {  	v11 =	vld [tilespmem:s26+$0xFFFFFFC0]  }
0xa0: {  	s24 =	sadd.s32 $0x100, s24;
	v12 =	vld [tilespmem:s26+$0xFFFFFFD0]  }
0xa1: {  	v13 =	vld [tilespmem:s26+$0xFFFFFFE0];
	[tilespmem:s24+$0x70] =	vst v6  }
0xa2: {  	v6 =	vld [tilespmem:s26+$0xFFFFFFF0]  }
0xa3: {  	v14 =	vld [tilespmem:s26+$0xFFFFFF10]  }
0xa4: {  	v0 =	vld.idx.msk [tilespmem:v0+s5+$0x0], $0xffff  }
0xa5: {  	v1 =	vld.idx.msk [tilespmem:v1+s5+$0x0], $0xffff  }
0xa6: {  	v2 =	vld.idx.msk [tilespmem:v2+s5+$0x0], $0xffff  }
0xa7: {  	v3 =	vld.idx.msk [tilespmem:v3+s5+$0x0], $0xffff  }
0xa8: {  	v4 =	vld.idx.msk [tilespmem:v4+s5+$0x0], $0xffff  }
0xa9: {  	v5 =	vld.idx.msk [tilespmem:v5+s5+$0x0], $0xffff  }
0xaa: {  	[tilespmem:s24+$0xFFFFFF90] =	vst v0;
	v7 =	vld.idx.msk [tilespmem:v7+s5+$0x0], $0xffff  }
0xab: {  	v14 =	vld.idx.msk [tilespmem:v14+s5+$0x0], $0xffff;
	[tilespmem:s24+$0xFFFFFFA0] =	vst v1  }
0xac: {  	[tilespmem:s24+$0xFFFFFFB0] =	vst v2;
	v8 =	vld.idx.msk [tilespmem:v8+s5+$0x0], $0xffff  }
0xad: {  	[tilespmem:s24+$0xFFFFFFC0] =	vst v3;
	v0 =	vld.idx.msk [tilespmem:v9+s5+$0x0], $0xffff  }
.Ltmp1:
0xae: {  	[tilespmem:s24+$0xFFFFFFD0] =	vst v4;
	v1 =	vld.idx.msk [tilespmem:v10+s5+$0x0], $0xffff;
	(pc) =	sbr.rel @p0 .LBB2_5-.Ltmp1, $4  }
0xaf: {  	[tilespmem:s24+$0xFFFFFFE0] =	vst v5;
	v2 =	vld.idx.msk [tilespmem:v11+s5+$0x0], $0xffff  }
0xb0: {  	[tilespmem:s24+$0xFFFFFFF0] =	vst v7;
	v3 =	vld.idx.msk [tilespmem:v12+s5+$0x0], $0xffff  }
0xb1: {  	[tilespmem:s24+$0xFFFFFF80] =	vst v14;
	v4 =	vld.idx.msk [tilespmem:v13+s5+$0x0], $0xffff  }
0xb2: {  	s26 =	sadd.s32 $0x100, s26;
	[tilespmem:s24+$0x0] =	vst v8;
	v5 =	vld.idx.msk [tilespmem:v6+s5+$0x0], $0xffff  }
0xb3: {  	[tilespmem:s24+$0x10] =	vst v0  }
0xb4: {  	[tilespmem:s24+$0x20] =	vst v1  }
0xb5: {  	[tilespmem:s24+$0x30] =	vst v2  }
0xb6: {  	[tilespmem:s24+$0x40] =	vst v3  }
0xb7: {  	[tilespmem:s24+$0x50] =	vst v4  }
0xb8: {  	s30 =	sadd.s32 s23, s8;
	[tilespmem:s24+$0x60] =	vst v5  }
0xb9: {  	[hbm4b:s30+s12] =	stream.strided.scatter [tilespmem:s18], [sflag:$0x1], $0x1000, s13, s12, $0x38;
	[tilespmem:$0x1E700] =	vst v63  }
0xba: {  	_ =	swait.ge [sflag:s19], $0x1000  }
0xbb: {  	[sflag:s19] =	ssyncset.done $0x0  }
0xbc: {  	s31 =	simm.s32 $0x1A7F0;
	[sflag:s19] =	ssyncadd.s32 $0xFFFFF000  }
0xbd: {  	v0 =	vld [tilespmem:s31+$0x0]  }
0xbe: {  	v1 =	vld [tilespmem:s31+$0xFFFFFF20]  }
0xbf: {  	v2 =	vld [tilespmem:s31+$0xFFFFFF30]  }
0xc0: {  	v3 =	vld [tilespmem:s31+$0xFFFFFF40]  }
0xc1: {  	v4 =	vld [tilespmem:s31+$0xFFFFFF50]  }
0xc2: {  	v5 =	vld [tilespmem:s31+$0xFFFFFF60]  }
0xc3: {  	v6 =	vld [tilespmem:s31+$0xFFFFFF70]  }
0xc4: {  	v7 =	vld [tilespmem:s31+$0xFFFFFF80]  }
0xc5: {  	v8 =	vld [tilespmem:s31+$0xFFFFFF90]  }
0xc6: {  	v9 =	vld [tilespmem:s31+$0xFFFFFFA0]  }
0xc7: {  	v10 =	vld [tilespmem:s31+$0xFFFFFFB0]  }
0xc8: {  	v11 =	vld [tilespmem:s31+$0xFFFFFFC0]  }
0xc9: {  	v12 =	vld [tilespmem:s31+$0xFFFFFFD0]  }
0xca: {  	v13 =	vld [tilespmem:s31+$0xFFFFFFE0]  }
0xcb: {  	v14 =	vld [tilespmem:s31+$0xFFFFFFF0]  }
0xcc: {  	v15 =	vld [tilespmem:s31+$0xFFFFFF10]  }
0xcd: {  	v0 =	vld.idx.msk [tilespmem:v0+s5+$0x0], $0xffff  }
0xce: {  	v1 =	vld.idx.msk [tilespmem:v1+s5+$0x0], $0xffff  }
0xcf: {  	v2 =	vld.idx.msk [tilespmem:v2+s5+$0x0], $0xffff  }
0xd0: {  	v3 =	vld.idx.msk [tilespmem:v3+s5+$0x0], $0xffff  }
0xd1: {  	v4 =	vld.idx.msk [tilespmem:v4+s5+$0x0], $0xffff  }
0xd2: {  	s24 =	simm.s32 $0x1C780;
	v5 =	vld.idx.msk [tilespmem:v5+s5+$0x0], $0xffff  }
0xd3: {  	v6 =	vld.idx.msk [tilespmem:v6+s5+$0x0], $0xffff;
	[tilespmem:s24+$0x70] =	vst v0  }
0xd4: {  	v7 =	vld.idx.msk [tilespmem:v7+s5+$0x0], $0xffff;
	[tilespmem:s24+$0xFFFFFF90] =	vst v1  }
0xd5: {  	v15 =	vld.idx.msk [tilespmem:v15+s5+$0x0], $0xffff;
	[tilespmem:s24+$0xFFFFFFA0] =	vst v2  }
0xd6: {  	v8 =	vld.idx.msk [tilespmem:v8+s5+$0x0], $0xffff;
	[tilespmem:s24+$0xFFFFFFB0] =	vst v3  }
0xd7: {  	[tilespmem:s24+$0xFFFFFFC0] =	vst v4;
	v0 =	vld.idx.msk [tilespmem:v9+s5+$0x0], $0xffff  }
0xd8: {  	[tilespmem:s24+$0xFFFFFFD0] =	vst v5;
	v1 =	vld.idx.msk [tilespmem:v10+s5+$0x0], $0xffff  }
0xd9: {  	[tilespmem:s24+$0xFFFFFFE0] =	vst v6;
	v2 =	vld.idx.msk [tilespmem:v11+s5+$0x0], $0xffff  }
0xda: {  	[tilespmem:s24+$0xFFFFFFF0] =	vst v7;
	v3 =	vld.idx.msk [tilespmem:v12+s5+$0x0], $0xffff  }
0xdb: {  	[tilespmem:s24+$0xFFFFFF80] =	vst v15;
	v4 =	vld.idx.msk [tilespmem:v13+s5+$0x0], $0xffff  }
0xdc: {  	s23 =	sadd.s32 s23, s9;
	s25 =	simm.s32 $0x0;
	s26 =	simm.s32 $0x1A8F0;
	[tilespmem:s24+$0x0] =	vst v8;
	v5 =	vld.idx.msk [tilespmem:v14+s5+$0x0], $0xffff  }
.LBB2_7:
0xdd: {  	v6 =	vld [tilespmem:s26+$0x0];
	s25 =	sadd.s32 $0x10, s25;
	[tilespmem:s24+$0x10] =	vst v0  }
0xde: {  	v0 =	vld [tilespmem:s26+$0xFFFFFF20];
	p0 =	slt.u32 s25, $0xF0;
	[tilespmem:s24+$0x20] =	vst v1  }
0xdf: {  	v1 =	vld [tilespmem:s26+$0xFFFFFF30];
	[tilespmem:s24+$0x30] =	vst v2  }
0xe0: {  	v2 =	vld [tilespmem:s26+$0xFFFFFF40];
	[tilespmem:s24+$0x40] =	vst v3  }
0xe1: {  	v3 =	vld [tilespmem:s26+$0xFFFFFF50];
	[tilespmem:s24+$0x50] =	vst v4  }
0xe2: {  	v4 =	vld [tilespmem:s26+$0xFFFFFF60];
	[tilespmem:s24+$0x60] =	vst v5  }
0xe3: {  	v5 =	vld [tilespmem:s26+$0xFFFFFF70]  }
0xe4: {  	v7 =	vld [tilespmem:s26+$0xFFFFFF80]  }
0xe5: {  	v6 =	vld.idx.msk [tilespmem:v6+s5+$0x0], $0xffff  }
0xe6: {  	v8 =	vld [tilespmem:s26+$0xFFFFFF90]  }
0xe7: {  	v9 =	vld [tilespmem:s26+$0xFFFFFFA0]  }
0xe8: {  	v10 =	vld [tilespmem:s26+$0xFFFFFFB0]  }
0xe9: {  	v11 =	vld [tilespmem:s26+$0xFFFFFFC0]  }
0xea: {  	s24 =	sadd.s32 $0x100, s24;
	v12 =	vld [tilespmem:s26+$0xFFFFFFD0]  }
0xeb: {  	v13 =	vld [tilespmem:s26+$0xFFFFFFE0];
	[tilespmem:s24+$0x70] =	vst v6  }
0xec: {  	v6 =	vld [tilespmem:s26+$0xFFFFFFF0]  }
0xed: {  	v14 =	vld [tilespmem:s26+$0xFFFFFF10]  }
0xee: {  	v0 =	vld.idx.msk [tilespmem:v0+s5+$0x0], $0xffff  }
0xef: {  	v1 =	vld.idx.msk [tilespmem:v1+s5+$0x0], $0xffff  }
0xf0: {  	v2 =	vld.idx.msk [tilespmem:v2+s5+$0x0], $0xffff  }
0xf1: {  	v3 =	vld.idx.msk [tilespmem:v3+s5+$0x0], $0xffff  }
0xf2: {  	v4 =	vld.idx.msk [tilespmem:v4+s5+$0x0], $0xffff  }
0xf3: {  	v5 =	vld.idx.msk [tilespmem:v5+s5+$0x0], $0xffff  }
0xf4: {  	[tilespmem:s24+$0xFFFFFF90] =	vst v0;
	v7 =	vld.idx.msk [tilespmem:v7+s5+$0x0], $0xffff  }
0xf5: {  	v14 =	vld.idx.msk [tilespmem:v14+s5+$0x0], $0xffff;
	[tilespmem:s24+$0xFFFFFFA0] =	vst v1  }
0xf6: {  	[tilespmem:s24+$0xFFFFFFB0] =	vst v2;
	v8 =	vld.idx.msk [tilespmem:v8+s5+$0x0], $0xffff  }
0xf7: {  	[tilespmem:s24+$0xFFFFFFC0] =	vst v3;
	v0 =	vld.idx.msk [tilespmem:v9+s5+$0x0], $0xffff  }
.Ltmp2:
0xf8: {  	[tilespmem:s24+$0xFFFFFFD0] =	vst v4;
	v1 =	vld.idx.msk [tilespmem:v10+s5+$0x0], $0xffff;
	(pc) =	sbr.rel @p0 .LBB2_7-.Ltmp2, $4  }
0xf9: {  	[tilespmem:s24+$0xFFFFFFE0] =	vst v5;
	v2 =	vld.idx.msk [tilespmem:v11+s5+$0x0], $0xffff  }
0xfa: {  	[tilespmem:s24+$0xFFFFFFF0] =	vst v7;
	v3 =	vld.idx.msk [tilespmem:v12+s5+$0x0], $0xffff  }
0xfb: {  	[tilespmem:s24+$0xFFFFFF80] =	vst v14;
	v4 =	vld.idx.msk [tilespmem:v13+s5+$0x0], $0xffff  }
0xfc: {  	s26 =	sadd.s32 $0x100, s26;
	[tilespmem:s24+$0x0] =	vst v8;
	v5 =	vld.idx.msk [tilespmem:v6+s5+$0x0], $0xffff  }
0xfd: {  	[tilespmem:s24+$0x10] =	vst v0  }
0xfe: {  	[tilespmem:s24+$0x20] =	vst v1  }
0xff: {  	[tilespmem:s24+$0x30] =	vst v2  }
0x100: {  	[tilespmem:s24+$0x40] =	vst v3  }
0x101: {  	[tilespmem:s24+$0x50] =	vst v4  }
0x102: {  	[tilespmem:s24+$0x60] =	vst v5  }
0x103: {  	[hbm4b:s23+s12] =	stream.strided.scatter [tilespmem:s17], [sflag:$0x1], $0x1000, s13, s12, $0x38;
	[tilespmem:$0x1E700] =	vst v63  }
0x104: {  	_ =	swait.ge [sflag:s19], $0x1000  }
0x105: {  	[sflag:s19] =	ssyncset.done $0x0  }
0x106: {  	s31 =	simm.s32 $0x1B7F0;
	[sflag:s19] =	ssyncadd.s32 $0xFFFFF000  }
0x107: {  	v0 =	vld [tilespmem:s31+$0x0]  }
0x108: {  	v1 =	vld [tilespmem:s31+$0xFFFFFF20]  }
0x109: {  	v2 =	vld [tilespmem:s31+$0xFFFFFF30]  }
0x10a: {  	v3 =	vld [tilespmem:s31+$0xFFFFFF40]  }
0x10b: {  	v4 =	vld [tilespmem:s31+$0xFFFFFF50]  }
0x10c: {  	v5 =	vld [tilespmem:s31+$0xFFFFFF60]  }
0x10d: {  	v6 =	vld [tilespmem:s31+$0xFFFFFF70]  }
0x10e: {  	v7 =	vld [tilespmem:s31+$0xFFFFFF80]  }
0x10f: {  	v8 =	vld [tilespmem:s31+$0xFFFFFF90]  }
0x110: {  	v9 =	vld [tilespmem:s31+$0xFFFFFFA0]  }
0x111: {  	v10 =	vld [tilespmem:s31+$0xFFFFFFB0]  }
0x112: {  	v11 =	vld [tilespmem:s31+$0xFFFFFFC0]  }
0x113: {  	v12 =	vld [tilespmem:s31+$0xFFFFFFD0]  }
0x114: {  	v13 =	vld [tilespmem:s31+$0xFFFFFFE0]  }
0x115: {  	v14 =	vld [tilespmem:s31+$0xFFFFFFF0]  }
0x116: {  	v15 =	vld [tilespmem:s31+$0xFFFFFF10]  }
0x117: {  	v0 =	vld.idx.msk [tilespmem:v0+s5+$0x0], $0xffff  }
0x118: {  	v1 =	vld.idx.msk [tilespmem:v1+s5+$0x0], $0xffff  }
0x119: {  	v2 =	vld.idx.msk [tilespmem:v2+s5+$0x0], $0xffff  }
0x11a: {  	v3 =	vld.idx.msk [tilespmem:v3+s5+$0x0], $0xffff  }
0x11b: {  	v4 =	vld.idx.msk [tilespmem:v4+s5+$0x0], $0xffff  }
0x11c: {  	s23 =	simm.s32 $0x1D780;
	v5 =	vld.idx.msk [tilespmem:v5+s5+$0x0], $0xffff  }
0x11d: {  	v6 =	vld.idx.msk [tilespmem:v6+s5+$0x0], $0xffff;
	[tilespmem:s23+$0x70] =	vst v0  }
0x11e: {  	v7 =	vld.idx.msk [tilespmem:v7+s5+$0x0], $0xffff;
	[tilespmem:s23+$0xFFFFFF90] =	vst v1  }
0x11f: {  	v15 =	vld.idx.msk [tilespmem:v15+s5+$0x0], $0xffff;
	[tilespmem:s23+$0xFFFFFFA0] =	vst v2  }
0x120: {  	v8 =	vld.idx.msk [tilespmem:v8+s5+$0x0], $0xffff;
	[tilespmem:s23+$0xFFFFFFB0] =	vst v3  }
0x121: {  	[tilespmem:s23+$0xFFFFFFC0] =	vst v4;
	v0 =	vld.idx.msk [tilespmem:v9+s5+$0x0], $0xffff  }
0x122: {  	[tilespmem:s23+$0xFFFFFFD0] =	vst v5;
	v1 =	vld.idx.msk [tilespmem:v10+s5+$0x0], $0xffff  }
0x123: {  	[tilespmem:s23+$0xFFFFFFE0] =	vst v6;
	v2 =	vld.idx.msk [tilespmem:v11+s5+$0x0], $0xffff  }
0x124: {  	[tilespmem:s23+$0xFFFFFFF0] =	vst v7;
	v3 =	vld.idx.msk [tilespmem:v12+s5+$0x0], $0xffff  }
0x125: {  	[tilespmem:s23+$0xFFFFFF80] =	vst v15;
	v4 =	vld.idx.msk [tilespmem:v13+s5+$0x0], $0xffff  }
0x126: {  	s25 =	simm.s32 $0x1B8F0;
	s24 =	simm.s32 $0x0;
	[tilespmem:s23+$0x0] =	vst v8;
	v5 =	vld.idx.msk [tilespmem:v14+s5+$0x0], $0xffff  }
.LBB2_9:
0x127: {  	v6 =	vld [tilespmem:s25+$0x0];
	s24 =	sadd.s32 $0x10, s24;
	[tilespmem:s23+$0x10] =	vst v0  }
0x128: {  	v0 =	vld [tilespmem:s25+$0xFFFFFF20];
	p0 =	slt.u32 s24, $0xF0;
	[tilespmem:s23+$0x20] =	vst v1  }
0x129: {  	v1 =	vld [tilespmem:s25+$0xFFFFFF30];
	[tilespmem:s23+$0x30] =	vst v2  }
0x12a: {  	v2 =	vld [tilespmem:s25+$0xFFFFFF40];
	[tilespmem:s23+$0x40] =	vst v3  }
0x12b: {  	v3 =	vld [tilespmem:s25+$0xFFFFFF50];
	[tilespmem:s23+$0x50] =	vst v4  }
0x12c: {  	v4 =	vld [tilespmem:s25+$0xFFFFFF60];
	[tilespmem:s23+$0x60] =	vst v5  }
0x12d: {  	v5 =	vld [tilespmem:s25+$0xFFFFFF70]  }
0x12e: {  	v7 =	vld [tilespmem:s25+$0xFFFFFF80]  }
0x12f: {  	v6 =	vld.idx.msk [tilespmem:v6+s5+$0x0], $0xffff  }
0x130: {  	v8 =	vld [tilespmem:s25+$0xFFFFFF90]  }
0x131: {  	v9 =	vld [tilespmem:s25+$0xFFFFFFA0]  }
0x132: {  	v10 =	vld [tilespmem:s25+$0xFFFFFFB0]  }
0x133: {  	v11 =	vld [tilespmem:s25+$0xFFFFFFC0]  }
0x134: {  	s23 =	sadd.s32 $0x100, s23;
	v12 =	vld [tilespmem:s25+$0xFFFFFFD0]  }
0x135: {  	v13 =	vld [tilespmem:s25+$0xFFFFFFE0];
	[tilespmem:s23+$0x70] =	vst v6  }
0x136: {  	v6 =	vld [tilespmem:s25+$0xFFFFFFF0]  }
0x137: {  	v14 =	vld [tilespmem:s25+$0xFFFFFF10]  }
0x138: {  	v0 =	vld.idx.msk [tilespmem:v0+s5+$0x0], $0xffff  }
0x139: {  	v1 =	vld.idx.msk [tilespmem:v1+s5+$0x0], $0xffff  }
0x13a: {  	v2 =	vld.idx.msk [tilespmem:v2+s5+$0x0], $0xffff  }
0x13b: {  	v3 =	vld.idx.msk [tilespmem:v3+s5+$0x0], $0xffff  }
0x13c: {  	v4 =	vld.idx.msk [tilespmem:v4+s5+$0x0], $0xffff  }
0x13d: {  	v5 =	vld.idx.msk [tilespmem:v5+s5+$0x0], $0xffff  }
0x13e: {  	[tilespmem:s23+$0xFFFFFF90] =	vst v0;
	v7 =	vld.idx.msk [tilespmem:v7+s5+$0x0], $0xffff  }
0x13f: {  	v14 =	vld.idx.msk [tilespmem:v14+s5+$0x0], $0xffff;
	[tilespmem:s23+$0xFFFFFFA0] =	vst v1  }
0x140: {  	[tilespmem:s23+$0xFFFFFFB0] =	vst v2;
	v8 =	vld.idx.msk [tilespmem:v8+s5+$0x0], $0xffff  }
0x141: {  	[tilespmem:s23+$0xFFFFFFC0] =	vst v3;
	v0 =	vld.idx.msk [tilespmem:v9+s5+$0x0], $0xffff  }
.Ltmp3:
0x142: {  	[tilespmem:s23+$0xFFFFFFD0] =	vst v4;
	v1 =	vld.idx.msk [tilespmem:v10+s5+$0x0], $0xffff;
	(pc) =	sbr.rel @p0 .LBB2_9-.Ltmp3, $4  }
0x143: {  	[tilespmem:s23+$0xFFFFFFE0] =	vst v5;
	v2 =	vld.idx.msk [tilespmem:v11+s5+$0x0], $0xffff  }
0x144: {  	[tilespmem:s23+$0xFFFFFFF0] =	vst v7;
	v3 =	vld.idx.msk [tilespmem:v12+s5+$0x0], $0xffff  }
0x145: {  	[tilespmem:s23+$0xFFFFFF80] =	vst v14;
	v4 =	vld.idx.msk [tilespmem:v13+s5+$0x0], $0xffff  }
0x146: {  	s25 =	sadd.s32 $0x100, s25;
	[tilespmem:s23+$0x0] =	vst v8;
	v5 =	vld.idx.msk [tilespmem:v6+s5+$0x0], $0xffff  }
0x147: {  	s21 =	sadd.s32 $0x1, s21  }
0x148: {  	[tilespmem:s23+$0x10] =	vst v0;
	p0 =	sne.s32 s21, $0x1A  }
.Ltmp4:
0x149: {  	[tilespmem:s23+$0x20] =	vst v1;
	(pc) =	sbr.rel @p0 .LBB2_2-.Ltmp4, $4  }
0x14a: {  	[tilespmem:s23+$0x30] =	vst v2  }
0x14b: {  	[tilespmem:s23+$0x40] =	vst v3  }
0x14c: {  	[tilespmem:s23+$0x50] =	vst v4  }
0x14d: {  	[tilespmem:s23+$0x60] =	vst v5  }
0x14e: {  	[hbm4b:s10+s12] =	stream.strided.scatter [tilespmem:s18], [sflag:$0x1], $0x1000, s13, s12, $0x38;
	[tilespmem:$0x1E700] =	vst v63  }
0x14f: {  	s20 =	sadd.s32 $0x1, s20  }
0x150: {  	_ =	swait.ge [sflag:s19], $0x1000;
	p0 =	sne.s32 s20, s11  }
.Ltmp5:
0x151: {  	[sflag:s19] =	ssyncset.done $0x0;
	(pc) =	sbr.rel @p0 .LBB2_1-.Ltmp5, $4  }
0x152: {  	[sflag:s19] =	ssyncadd.s32 $0xFFFFF000  }
0x153: {  	_ =	swait.ge [sflag:s19], $0x1000  }
0x154: {  	[sflag:s19] =	ssyncset.done $0x0  }
0x155: {  	[sflag:s19] =	ssyncadd.s32 $0xFFFFF000  }
0x156: {  	_ =	sfence.sel $0x180000  }
0x157: {  	[bflag:$0x0] =	sbarrier.arrive $0xFFFF  }
0x158: {  	p0 =	sne.s32 s0, $0x0;
	_ =	strace $0x90000047  }
0x159: {  	s0 =	sadd.s32 @!p0 $0x100000, s2;
	[bflag:$0x2] =	sbarrier.arrive $0xFFFF  }
0x15a: {  	[sflag:s0] =	ssyncadd.tile.s32 @!p0 $0x1;
	_ =	shalt  }
.Lfunc_end2:
_tile_overlayer_lowered:
.L_overlay_start_2:
0x15b: {  	(tag) =	ssettag $0x2  }
0x15c: {  	s0 =	rddreg [dreg:$0x0];
	s2 =	stileid.u32  }
0x15d: {  	s1 =	rddreg [dreg:$0x1];
	p0 =	sne.s32 s2, $0x0  }
0x15e: {  	s3 =	rddreg [dreg:$0x2];
	[bflag:$0x3] =	sbarrier.arrive $0xFFFF;
	s2 =	simm.s32 @!p0 $0x1C04  }
0x15f: {  	[timem:s3], [sflag:s2] =	dma.local @!p0 [hbm:s0], s1  }
0x160: {  	s0 =	simm.s32 @!p0 $0x4  }
0x161: {  	_ =	swait.ge @!p0 [sflag:s0], s1  }
0x162: {  	s1 =	ssub.s32 @!p0 $0x0, s1;
	[sflag:s0] =	ssyncset.done @!p0 $0x0  }
0x163: {  	[sflag:s0] =	ssyncadd.s32 @!p0 s1  }
0x164: {  	[bflag:$0x3] =	sbarrier.arrive $0xFFFF  }
0x165: {  	_ =	shalt  }

</sc_bundles>
